<compile_context>
chip_gen: v7x
topology: tpu7x:2x2x1
jax: 0.10.2.dev20260603
libtpu: 0.0.44.dev20260713+nightly
codegen_flags: <defaults>
</compile_context>

<pallas_src>
import functools

import jax
import jax.numpy as jnp
from jax import lax
from jax.experimental import pallas as pl
from jax.experimental.pallas import tpu as pltpu
from jax.experimental.pallas import tpu_sc as plsc


def _gather_incident(node_state, edge_src, edge_dst, *, nw, g):
    n, d = node_state.shape
    e = edge_src.shape[0]
    per_w = e // nw
    fills = (per_w // g) & ~1
    tail = per_w - fills * g
    assert tail == 0 or tail % 8 == 0
    mesh = plsc.VectorSubcoreMesh(core_axis_name="c", subcore_axis_name="s")

    @functools.partial(
        pl.kernel,
        mesh=mesh,
        out_type=jax.ShapeDtypeStruct((e, 2 * d), jnp.float32),
        scratch_types=[
            pltpu.VMEM((per_w,), jnp.int32),
            pltpu.VMEM((per_w,), jnp.int32),
            pltpu.VMEM((g, d), jnp.float32),
            pltpu.VMEM((g, d), jnp.float32),
            pltpu.VMEM((g, d), jnp.float32),
            pltpu.VMEM((g, d), jnp.float32),
            pltpu.SemaphoreType.DMA,
            pltpu.SemaphoreType.DMA,
            pltpu.SemaphoreType.DMA,
        ],
    )
    def k(node_hbm, src_hbm, dst_hbm, out_hbm, sidx_v, didx_v,
          sbuf0, dbuf0, sbuf1, dbuf1, sem0, sem1, wsem):
        nc = 2
        wid = lax.axis_index("s") * nc + lax.axis_index("c")
        pltpu.sync_copy(src_hbm.at[wid], sidx_v)
        pltpu.sync_copy(dst_hbm.at[wid], didx_v)
        base = wid * per_w

        def fire(fill, rows, sbuf, dbuf, sem):
            i0 = fill * g
            pltpu.async_copy(node_hbm.at[sidx_v.at[pl.ds(i0, rows)]],
                             sbuf.at[pl.ds(0, rows)], sem)
            pltpu.async_copy(node_hbm.at[didx_v.at[pl.ds(i0, rows)]],
                             dbuf.at[pl.ds(0, rows)], sem)

        def drain(fill, rows, sbuf, dbuf, sem):
            i0 = fill * g
            pltpu.make_async_copy(node_hbm.at[sidx_v.at[pl.ds(i0, rows)]],
                                  sbuf.at[pl.ds(0, rows)], sem).wait()
            pltpu.make_async_copy(node_hbm.at[didx_v.at[pl.ds(i0, rows)]],
                                  dbuf.at[pl.ds(0, rows)], sem).wait()

        def write(fill, rows, sbuf, dbuf):
            r0 = base + fill * g
            a = pltpu.async_copy(sbuf.at[pl.ds(0, rows)],
                                 out_hbm.at[pl.ds(r0, rows), pl.ds(0, d)],
                                 wsem)
            b = pltpu.async_copy(dbuf.at[pl.ds(0, rows)],
                                 out_hbm.at[pl.ds(r0, rows), pl.ds(d, d)],
                                 wsem)
            a.wait()
            b.wait()

        fire(0, g, sbuf0, dbuf0, sem0)

        def body(i, carry):
            fire(2 * i + 1, g, sbuf1, dbuf1, sem1)
            drain(2 * i, g, sbuf0, dbuf0, sem0)
            write(2 * i, g, sbuf0, dbuf0)

            @pl.when(i != fills // 2 - 1)
            def _():
                fire(2 * i + 2, g, sbuf0, dbuf0, sem0)

            drain(2 * i + 1, g, sbuf1, dbuf1, sem1)
            write(2 * i + 1, g, sbuf1, dbuf1)
            return carry

        lax.fori_loop(0, fills // 2, body, 0, unroll=False)

        if tail:
            fire(fills, tail, sbuf0, dbuf0, sem0)
            drain(fills, tail, sbuf0, dbuf0, sem0)
            write(fills, tail, sbuf0, dbuf0)

    src_r = edge_src.astype(jnp.int32).reshape(nw, per_w)
    dst_r = edge_dst.astype(jnp.int32).reshape(nw, per_w)
    return k(node_state, src_r, dst_r)


def kernel(node_state, edge_src, edge_dst):
    e = edge_src.shape[0]
    nw = 32
    g = 128
    assert e % (nw * 8) == 0
    return _gather_incident(node_state, edge_src, edge_dst, nw=nw, g=g)

# --- scband reference (transcript-rebuilt; emitter-appended) ---
"""Pipeline reference for scband-gather-incident-24300924961366 (READ-ONLY COPY).

The authoritative reference and input builder live on the scoring server;
editing this copy changes nothing except your own understanding.
"""

import jax, jax.numpy as jnp
import numpy as np


def setup_inputs(seed: int = 0) -> dict:
    key = jax.random.key(seed)
    k1, k2, k3 = jax.random.split(key, 3)
    node_state = jax.random.normal(k1, (10000, 128), dtype=jnp.float32)
    edge_src = jax.random.randint(k2, (320000,), 0, 10000, dtype=jnp.int64 if jax.config.jax_enable_x64 else jnp.int32)
    edge_dst = jax.random.randint(k3, (320000,), 0, 10000, dtype=jnp.int64 if jax.config.jax_enable_x64 else jnp.int32)
    return {"node_state": node_state, "edge_src": edge_src, "edge_dst": edge_dst}


def reference(node_state, edge_src, edge_dst):
    # GatherIncident: gather source and destination node states for every edge,
    # then concatenate along the feature axis -> [E, 2*d_feat]
    node_state_src = jnp.take(node_state, edge_src, axis=0)
    node_state_dst = jnp.take(node_state, edge_dst, axis=0)
    return jnp.concatenate([node_state_src, node_state_dst], axis=1)

if __name__ == "__main__":
    import jax
    _d = setup_inputs()
    print(jax.jit(kernel)(*tuple(_d.values())))

</pallas_src>

<mosaic_0001>
#map = affine_map<(d0, d1) -> (0, 0)>
module attributes {stable_mosaic.version = 14 : i64} {
  func.func @k(%arg0: i32, %arg1: i32, %arg2: memref<10000x128xf32, #tpu.memory_space<hbm>>, %arg3: memref<32x10000xi32, #tpu.memory_space<hbm>>, %arg4: memref<32x10000xi32, #tpu.memory_space<hbm>>, %arg5: memref<320000x256xf32, #tpu.memory_space<hbm>>, %arg6: memref<10000xi32, #tpu.memory_space<vmem>>, %arg7: memref<10000xi32, #tpu.memory_space<vmem>>, %arg8: memref<128x128xf32, #tpu.memory_space<vmem>>, %arg9: memref<128x128xf32, #tpu.memory_space<vmem>>, %arg10: memref<128x128xf32, #tpu.memory_space<vmem>>, %arg11: memref<128x128xf32, #tpu.memory_space<vmem>>, %arg12: memref<!tpu.dma_semaphore, #tpu.memory_space<semaphore_mem>>, %arg13: memref<!tpu.dma_semaphore, #tpu.memory_space<semaphore_mem>>, %arg14: memref<!tpu.dma_semaphore, #tpu.memory_space<semaphore_mem>>) attributes {dimension_semantics = [#tpu.dimension_semantics<core_parallel>, #tpu.dimension_semantics<subcore_parallel>], iteration_bounds = array<i64: 2, 16>, scalar_prefetch = 0 : i64, scratch_operands = 9 : i64, tpu.core_type = #tpu.core_type<sc_vector_subcore>, window_params = [{transform_indices = #map}, {transform_indices = #map}, {transform_indices = #map}, {transform_indices = #map}]} {
    %mul3A = arith.constant 2 : i32
    %mul3A_0 = arith.muli %arg1, %mul3A : i32
    %add3A = arith.addi %mul3A_0, %arg0 : i32
    "tpu.region"() ({
      %run_scoped3A = tpu.sem_alloc : memref<!tpu.dma_semaphore, #tpu.memory_space<semaphore_mem>>
      %dma_start3A_96 = arith.constant 0 : i32
      %dma_start3A_97 = tpu.memref_slice %arg3[%add3A, %dma_start3A_96] : memref<32x10000xi32, #tpu.memory_space<hbm>> -> memref<1x10000xi32, #tpu.memory_space<hbm>>
      %dma_start3A_98 = tpu.memref_squeeze %dma_start3A_97 : memref<1x10000xi32, #tpu.memory_space<hbm>> -> memref<10000xi32, #tpu.memory_space<hbm>>
      %dma_start3A_99 = arith.constant 0 : i32
      %dma_start3A_100 = tpu.memref_slice %arg3[%add3A, %dma_start3A_99] : memref<32x10000xi32, #tpu.memory_space<hbm>> -> memref<1x10000xi32, #tpu.memory_space<hbm>>
      %dma_start3A_101 = tpu.memref_squeeze %dma_start3A_100 : memref<1x10000xi32, #tpu.memory_space<hbm>> -> memref<10000xi32, #tpu.memory_space<hbm>>
      tpu.enqueue_dma source(%dma_start3A_101 : memref<10000xi32, #tpu.memory_space<hbm>>) target(%arg6 : memref<10000xi32, #tpu.memory_space<vmem>>) target_semaphore(%run_scoped3A : memref<!tpu.dma_semaphore, #tpu.memory_space<semaphore_mem>>)
      %dma_wait3A_102 = arith.constant 0 : i32
      %dma_wait3A_103 = tpu.memref_slice %arg3[%add3A, %dma_wait3A_102] : memref<32x10000xi32, #tpu.memory_space<hbm>> -> memref<1x10000xi32, #tpu.memory_space<hbm>>
      %dma_wait3A_104 = tpu.memref_squeeze %dma_wait3A_103 : memref<1x10000xi32, #tpu.memory_space<hbm>> -> memref<10000xi32, #tpu.memory_space<hbm>>
      %dma_wait3A_105 = arith.constant 0 : i32
      %dma_wait3A_106 = tpu.memref_slice %arg3[%add3A, %dma_wait3A_105] : memref<32x10000xi32, #tpu.memory_space<hbm>> -> memref<1x10000xi32, #tpu.memory_space<hbm>>
      %dma_wait3A_107 = tpu.memref_squeeze %dma_wait3A_106 : memref<1x10000xi32, #tpu.memory_space<hbm>> -> memref<10000xi32, #tpu.memory_space<hbm>>
      tpu.wait_dma2 semaphore(%run_scoped3A : memref<!tpu.dma_semaphore, #tpu.memory_space<semaphore_mem>>) src(%dma_wait3A_107 : memref<10000xi32, #tpu.memory_space<hbm>>) dst(%arg6 : memref<10000xi32, #tpu.memory_space<vmem>>)
      tpu.yield
    }) : () -> ()
    "tpu.region"() ({
      %run_scoped3A = tpu.sem_alloc : memref<!tpu.dma_semaphore, #tpu.memory_space<semaphore_mem>>
      %dma_start3A_96 = arith.constant 0 : i32
      %dma_start3A_97 = tpu.memref_slice %arg4[%add3A, %dma_start3A_96] : memref<32x10000xi32, #tpu.memory_space<hbm>> -> memref<1x10000xi32, #tpu.memory_space<hbm>>
      %dma_start3A_98 = tpu.memref_squeeze %dma_start3A_97 : memref<1x10000xi32, #tpu.memory_space<hbm>> -> memref<10000xi32, #tpu.memory_space<hbm>>
      %dma_start3A_99 = arith.constant 0 : i32
      %dma_start3A_100 = tpu.memref_slice %arg4[%add3A, %dma_start3A_99] : memref<32x10000xi32, #tpu.memory_space<hbm>> -> memref<1x10000xi32, #tpu.memory_space<hbm>>
      %dma_start3A_101 = tpu.memref_squeeze %dma_start3A_100 : memref<1x10000xi32, #tpu.memory_space<hbm>> -> memref<10000xi32, #tpu.memory_space<hbm>>
      tpu.enqueue_dma source(%dma_start3A_101 : memref<10000xi32, #tpu.memory_space<hbm>>) target(%arg7 : memref<10000xi32, #tpu.memory_space<vmem>>) target_semaphore(%run_scoped3A : memref<!tpu.dma_semaphore, #tpu.memory_space<semaphore_mem>>)
      %dma_wait3A_102 = arith.constant 0 : i32
      %dma_wait3A_103 = tpu.memref_slice %arg4[%add3A, %dma_wait3A_102] : memref<32x10000xi32, #tpu.memory_space<hbm>> -> memref<1x10000xi32, #tpu.memory_space<hbm>>
      %dma_wait3A_104 = tpu.memref_squeeze %dma_wait3A_103 : memref<1x10000xi32, #tpu.memory_space<hbm>> -> memref<10000xi32, #tpu.memory_space<hbm>>
      %dma_wait3A_105 = arith.constant 0 : i32
      %dma_wait3A_106 = tpu.memref_slice %arg4[%add3A, %dma_wait3A_105] : memref<32x10000xi32, #tpu.memory_space<hbm>> -> memref<1x10000xi32, #tpu.memory_space<hbm>>
      %dma_wait3A_107 = tpu.memref_squeeze %dma_wait3A_106 : memref<1x10000xi32, #tpu.memory_space<hbm>> -> memref<10000xi32, #tpu.memory_space<hbm>>
      tpu.wait_dma2 semaphore(%run_scoped3A : memref<!tpu.dma_semaphore, #tpu.memory_space<semaphore_mem>>) src(%dma_wait3A_107 : memref<10000xi32, #tpu.memory_space<hbm>>) dst(%arg7 : memref<10000xi32, #tpu.memory_space<vmem>>)
      tpu.yield
    }) : () -> ()
    %mul3A_1 = arith.constant 10000 : i32
    %mul3A_2 = arith.muli %add3A, %mul3A_1 : i32
    %dma_start3A = arith.constant 0 : i32
    %dma_start3A_3 = arith.constant 0 : i32
    %dma_start3A_4 = tpu.memref_slice %arg8[%dma_start3A, %dma_start3A_3] : memref<128x128xf32, #tpu.memory_space<vmem>> -> memref<128x128xf32, #tpu.memory_space<vmem>>
    %dma_start3A_5 = arith.constant 0 : i32
    %dma_start3A_6 = tpu.memref_slice %arg6[%dma_start3A_5] : memref<10000xi32, #tpu.memory_space<vmem>> -> memref<128xi32, #tpu.memory_space<vmem>>
    %dma_start3A_7 = arith.constant 0 : i32
    %dma_start3A_8 = arith.constant 0 : i32
    %dma_start3A_9 = tpu.memref_slice %arg2[%dma_start3A_7, %dma_start3A_8] : memref<10000x128xf32, #tpu.memory_space<hbm>> -> memref<10000x128xf32, #tpu.memory_space<hbm>>
    tpu.enqueue_indirect_dma source(%dma_start3A_9 : memref<10000x128xf32, #tpu.memory_space<hbm>>) target(%dma_start3A_4 : memref<128x128xf32, #tpu.memory_space<vmem>>) offsets(%dma_start3A_6 : memref<128xi32, #tpu.memory_space<vmem>>) semaphore(%arg12 : memref<!tpu.dma_semaphore, #tpu.memory_space<semaphore_mem>>)
    %dma_start3A_10 = arith.constant 0 : i32
    %dma_start3A_11 = arith.constant 0 : i32
    %dma_start3A_12 = tpu.memref_slice %arg9[%dma_start3A_10, %dma_start3A_11] : memref<128x128xf32, #tpu.memory_space<vmem>> -> memref<128x128xf32, #tpu.memory_space<vmem>>
    %dma_start3A_13 = arith.constant 0 : i32
    %dma_start3A_14 = tpu.memref_slice %arg7[%dma_start3A_13] : memref<10000xi32, #tpu.memory_space<vmem>> -> memref<128xi32, #tpu.memory_space<vmem>>
    %dma_start3A_15 = arith.constant 0 : i32
    %dma_start3A_16 = arith.constant 0 : i32
    %dma_start3A_17 = tpu.memref_slice %arg2[%dma_start3A_15, %dma_start3A_16] : memref<10000x128xf32, #tpu.memory_space<hbm>> -> memref<10000x128xf32, #tpu.memory_space<hbm>>
    tpu.enqueue_indirect_dma source(%dma_start3A_17 : memref<10000x128xf32, #tpu.memory_space<hbm>>) target(%dma_start3A_12 : memref<128x128xf32, #tpu.memory_space<vmem>>) offsets(%dma_start3A_14 : memref<128xi32, #tpu.memory_space<vmem>>) semaphore(%arg12 : memref<!tpu.dma_semaphore, #tpu.memory_space<semaphore_mem>>)
    %scan3A = arith.constant 0 : i32
    %scan3A_18 = arith.constant 0 : i32
    %scan3A_19 = arith.constant 39 : i32
    %scan3A_20 = arith.addi %scan3A_18, %scan3A_19 : i32
    %scan3A_21 = arith.constant 1 : i32
    scf.for %scan3A_96 = %scan3A_18 to %scan3A_20 step %scan3A_21  : i32 {
      %mul3A_97 = arith.constant 2 : i32
      %mul3A_98 = arith.muli %mul3A_97, %scan3A_96 : i32
      %add3A_99 = arith.constant 1 : i32
      %add3A_100 = arith.addi %mul3A_98, %add3A_99 : i32
      %mul3A_101 = arith.constant 128 : i32
      %mul3A_102 = arith.muli %add3A_100, %mul3A_101 : i32
      %dma_start3A_103 = arith.constant 0 : i32
      %dma_start3A_104 = arith.constant 0 : i32
      %dma_start3A_105 = tpu.memref_slice %arg10[%dma_start3A_103, %dma_start3A_104] : memref<128x128xf32, #tpu.memory_space<vmem>> -> memref<128x128xf32, #tpu.memory_space<vmem>>
      %dma_start3A_106 = tpu.memref_slice %arg6[%mul3A_102] : memref<10000xi32, #tpu.memory_space<vmem>> -> memref<128xi32, #tpu.memory_space<vmem>>
      %dma_start3A_107 = arith.constant 0 : i32
      %dma_start3A_108 = arith.constant 0 : i32
      %dma_start3A_109 = tpu.memref_slice %arg2[%dma_start3A_107, %dma_start3A_108] : memref<10000x128xf32, #tpu.memory_space<hbm>> -> memref<10000x128xf32, #tpu.memory_space<hbm>>
      tpu.enqueue_indirect_dma source(%dma_start3A_109 : memref<10000x128xf32, #tpu.memory_space<hbm>>) target(%dma_start3A_105 : memref<128x128xf32, #tpu.memory_space<vmem>>) offsets(%dma_start3A_106 : memref<128xi32, #tpu.memory_space<vmem>>) semaphore(%arg13 : memref<!tpu.dma_semaphore, #tpu.memory_space<semaphore_mem>>)
      %dma_start3A_110 = arith.constant 0 : i32
      %dma_start3A_111 = arith.constant 0 : i32
      %dma_start3A_112 = tpu.memref_slice %arg11[%dma_start3A_110, %dma_start3A_111] : memref<128x128xf32, #tpu.memory_space<vmem>> -> memref<128x128xf32, #tpu.memory_space<vmem>>
      %dma_start3A_113 = tpu.memref_slice %arg7[%mul3A_102] : memref<10000xi32, #tpu.memory_space<vmem>> -> memref<128xi32, #tpu.memory_space<vmem>>
      %dma_start3A_114 = arith.constant 0 : i32
      %dma_start3A_115 = arith.constant 0 : i32
      %dma_start3A_116 = tpu.memref_slice %arg2[%dma_start3A_114, %dma_start3A_115] : memref<10000x128xf32, #tpu.memory_space<hbm>> -> memref<10000x128xf32, #tpu.memory_space<hbm>>
      tpu.enqueue_indirect_dma source(%dma_start3A_116 : memref<10000x128xf32, #tpu.memory_space<hbm>>) target(%dma_start3A_112 : memref<128x128xf32, #tpu.memory_space<vmem>>) offsets(%dma_start3A_113 : memref<128xi32, #tpu.memory_space<vmem>>) semaphore(%arg13 : memref<!tpu.dma_semaphore, #tpu.memory_space<semaphore_mem>>)
      %mul3A_117 = arith.constant 2 : i32
      %mul3A_118 = arith.muli %mul3A_117, %scan3A_96 : i32
      %mul3A_119 = arith.constant 128 : i32
      %mul3A_120 = arith.muli %mul3A_118, %mul3A_119 : i32
      %dma_wait3A_121 = arith.constant 0 : i32
      %dma_wait3A_122 = arith.constant 0 : i32
      %dma_wait3A_123 = tpu.memref_slice %arg8[%dma_wait3A_121, %dma_wait3A_122] : memref<128x128xf32, #tpu.memory_space<vmem>> -> memref<128x128xf32, #tpu.memory_space<vmem>>
      %dma_wait3A_124 = tpu.memref_slice %arg6[%mul3A_120] : memref<10000xi32, #tpu.memory_space<vmem>> -> memref<128xi32, #tpu.memory_space<vmem>>
      %dma_wait3A_125 = arith.constant 0 : i32
      %dma_wait3A_126 = arith.constant 0 : i32
      %dma_wait3A_127 = tpu.memref_slice %arg2[%dma_wait3A_125, %dma_wait3A_126] : memref<10000x128xf32, #tpu.memory_space<hbm>> -> memref<10000x128xf32, #tpu.memory_space<hbm>>
      tpu.wait_indirect_dma semaphore(%arg12 : memref<!tpu.dma_semaphore, #tpu.memory_space<semaphore_mem>>) src(%dma_wait3A_127 : memref<10000x128xf32, #tpu.memory_space<hbm>>) dst(%dma_wait3A_123 : memref<128x128xf32, #tpu.memory_space<vmem>>)
      %dma_wait3A_128 = arith.constant 0 : i32
      %dma_wait3A_129 = arith.constant 0 : i32
      %dma_wait3A_130 = tpu.memref_slice %arg9[%dma_wait3A_128, %dma_wait3A_129] : memref<128x128xf32, #tpu.memory_space<vmem>> -> memref<128x128xf32, #tpu.memory_space<vmem>>
      %dma_wait3A_131 = tpu.memref_slice %arg7[%mul3A_120] : memref<10000xi32, #tpu.memory_space<vmem>> -> memref<128xi32, #tpu.memory_space<vmem>>
      %dma_wait3A_132 = arith.constant 0 : i32
      %dma_wait3A_133 = arith.constant 0 : i32
      %dma_wait3A_134 = tpu.memref_slice %arg2[%dma_wait3A_132, %dma_wait3A_133] : memref<10000x128xf32, #tpu.memory_space<hbm>> -> memref<10000x128xf32, #tpu.memory_space<hbm>>
      tpu.wait_indirect_dma semaphore(%arg12 : memref<!tpu.dma_semaphore, #tpu.memory_space<semaphore_mem>>) src(%dma_wait3A_134 : memref<10000x128xf32, #tpu.memory_space<hbm>>) dst(%dma_wait3A_130 : memref<128x128xf32, #tpu.memory_space<vmem>>)
      %mul3A_135 = arith.constant 2 : i32
      %mul3A_136 = arith.muli %mul3A_135, %scan3A_96 : i32
      %mul3A_137 = arith.constant 128 : i32
      %mul3A_138 = arith.muli %mul3A_136, %mul3A_137 : i32
      %add3A_139 = arith.addi %mul3A_2, %mul3A_138 : i32
      %dma_start3A_140 = arith.constant 0 : i32
      %dma_start3A_141 = arith.constant 0 : i32
      %dma_start3A_142 = tpu.memref_slice %arg8[%dma_start3A_140, %dma_start3A_141] : memref<128x128xf32, #tpu.memory_space<vmem>> -> memref<128x128xf32, #tpu.memory_space<vmem>>
      %dma_start3A_143 = arith.constant 0 : i32
      %dma_start3A_144 = tpu.memref_slice %arg5[%add3A_139, %dma_start3A_143] : memref<320000x256xf32, #tpu.memory_space<hbm>> -> memref<128x128xf32, #tpu.memory_space<hbm>>
      %dma_start3A_145 = arith.constant 0 : i32
      %dma_start3A_146 = tpu.memref_slice %arg5[%add3A_139, %dma_start3A_145] : memref<320000x256xf32, #tpu.memory_space<hbm>> -> memref<128x128xf32, #tpu.memory_space<hbm>>
      %dma_start3A_147 = arith.constant 0 : i32
      %dma_start3A_148 = arith.constant 0 : i32
      %dma_start3A_149 = tpu.memref_slice %arg8[%dma_start3A_147, %dma_start3A_148] : memref<128x128xf32, #tpu.memory_space<vmem>> -> memref<128x128xf32, #tpu.memory_space<vmem>>
      tpu.enqueue_dma source(%dma_start3A_149 : memref<128x128xf32, #tpu.memory_space<vmem>>) target(%dma_start3A_146 : memref<128x128xf32, #tpu.memory_space<hbm>>) target_semaphore(%arg14 : memref<!tpu.dma_semaphore, #tpu.memory_space<semaphore_mem>>)
      %dma_start3A_150 = arith.constant 0 : i32
      %dma_start3A_151 = arith.constant 0 : i32
      %dma_start3A_152 = tpu.memref_slice %arg9[%dma_start3A_150, %dma_start3A_151] : memref<128x128xf32, #tpu.memory_space<vmem>> -> memref<128x128xf32, #tpu.memory_space<vmem>>
      %dma_start3A_153 = arith.constant 128 : i32
      %dma_start3A_154 = tpu.memref_slice %arg5[%add3A_139, %dma_start3A_153] : memref<320000x256xf32, #tpu.memory_space<hbm>> -> memref<128x128xf32, #tpu.memory_space<hbm>>
      %dma_start3A_155 = arith.constant 128 : i32
      %dma_start3A_156 = tpu.memref_slice %arg5[%add3A_139, %dma_start3A_155] : memref<320000x256xf32, #tpu.memory_space<hbm>> -> memref<128x128xf32, #tpu.memory_space<hbm>>
      %dma_start3A_157 = arith.constant 0 : i32
      %dma_start3A_158 = arith.constant 0 : i32
      %dma_start3A_159 = tpu.memref_slice %arg9[%dma_start3A_157, %dma_start3A_158] : memref<128x128xf32, #tpu.memory_space<vmem>> -> memref<128x128xf32, #tpu.memory_space<vmem>>
      tpu.enqueue_dma source(%dma_start3A_159 : memref<128x128xf32, #tpu.memory_space<vmem>>) target(%dma_start3A_156 : memref<128x128xf32, #tpu.memory_space<hbm>>) target_semaphore(%arg14 : memref<!tpu.dma_semaphore, #tpu.memory_space<semaphore_mem>>)
      %dma_wait3A_160 = arith.constant 0 : i32
      %dma_wait3A_161 = arith.constant 0 : i32
      %dma_wait3A_162 = tpu.memref_slice %arg8[%dma_wait3A_160, %dma_wait3A_161] : memref<128x128xf32, #tpu.memory_space<vmem>> -> memref<128x128xf32, #tpu.memory_space<vmem>>
      %dma_wait3A_163 = arith.constant 0 : i32
      %dma_wait3A_164 = tpu.memref_slice %arg5[%add3A_139, %dma_wait3A_163] : memref<320000x256xf32, #tpu.memory_space<hbm>> -> memref<128x128xf32, #tpu.memory_space<hbm>>
      %dma_wait3A_165 = arith.constant 0 : i32
      %dma_wait3A_166 = tpu.memref_slice %arg5[%add3A_139, %dma_wait3A_165] : memref<320000x256xf32, #tpu.memory_space<hbm>> -> memref<128x128xf32, #tpu.memory_space<hbm>>
      %dma_wait3A_167 = arith.constant 0 : i32
      %dma_wait3A_168 = arith.constant 0 : i32
      %dma_wait3A_169 = tpu.memref_slice %arg8[%dma_wait3A_167, %dma_wait3A_168] : memref<128x128xf32, #tpu.memory_space<vmem>> -> memref<128x128xf32, #tpu.memory_space<vmem>>
      tpu.wait_dma2 semaphore(%arg14 : memref<!tpu.dma_semaphore, #tpu.memory_space<semaphore_mem>>) src(%dma_wait3A_169 : memref<128x128xf32, #tpu.memory_space<vmem>>) dst(%dma_wait3A_166 : memref<128x128xf32, #tpu.memory_space<hbm>>)
      %dma_wait3A_170 = arith.constant 0 : i32
      %dma_wait3A_171 = arith.constant 0 : i32
      %dma_wait3A_172 = tpu.memref_slice %arg9[%dma_wait3A_170, %dma_wait3A_171] : memref<128x128xf32, #tpu.memory_space<vmem>> -> memref<128x128xf32, #tpu.memory_space<vmem>>
      %dma_wait3A_173 = arith.constant 128 : i32
      %dma_wait3A_174 = tpu.memref_slice %arg5[%add3A_139, %dma_wait3A_173] : memref<320000x256xf32, #tpu.memory_space<hbm>> -> memref<128x128xf32, #tpu.memory_space<hbm>>
      %dma_wait3A_175 = arith.constant 128 : i32
      %dma_wait3A_176 = tpu.memref_slice %arg5[%add3A_139, %dma_wait3A_175] : memref<320000x256xf32, #tpu.memory_space<hbm>> -> memref<128x128xf32, #tpu.memory_space<hbm>>
      %dma_wait3A_177 = arith.constant 0 : i32
      %dma_wait3A_178 = arith.constant 0 : i32
      %dma_wait3A_179 = tpu.memref_slice %arg9[%dma_wait3A_177, %dma_wait3A_178] : memref<128x128xf32, #tpu.memory_space<vmem>> -> memref<128x128xf32, #tpu.memory_space<vmem>>
      tpu.wait_dma2 semaphore(%arg14 : memref<!tpu.dma_semaphore, #tpu.memory_space<semaphore_mem>>) src(%dma_wait3A_179 : memref<128x128xf32, #tpu.memory_space<vmem>>) dst(%dma_wait3A_176 : memref<128x128xf32, #tpu.memory_space<hbm>>)
      %ne3A = arith.constant 38 : i32
      %ne3A_180 = arith.cmpi ne, %scan3A_96, %ne3A : i32
      %convert_element_type3A = arith.extui %ne3A_180 : i1 to i32
      %cond3A = arith.constant 0 : i32
      %cond3A_181 = arith.cmpi ne, %convert_element_type3A, %cond3A : i32
      scf.if %cond3A_181 {
        %mul3A_249 = arith.constant 2 : i32
        %mul3A_250 = arith.muli %mul3A_249, %scan3A_96 : i32
        %add3A_251 = arith.constant 2 : i32
        %add3A_252 = arith.addi %mul3A_250, %add3A_251 : i32
        %mul3A_253 = arith.constant 128 : i32
        %mul3A_254 = arith.muli %add3A_252, %mul3A_253 : i32
        %dma_start3A_255 = arith.constant 0 : i32
        %dma_start3A_256 = arith.constant 0 : i32
        %dma_start3A_257 = tpu.memref_slice %arg8[%dma_start3A_255, %dma_start3A_256] : memref<128x128xf32, #tpu.memory_space<vmem>> -> memref<128x128xf32, #tpu.memory_space<vmem>>
        %dma_start3A_258 = tpu.memref_slice %arg6[%mul3A_254] : memref<10000xi32, #tpu.memory_space<vmem>> -> memref<128xi32, #tpu.memory_space<vmem>>
        %dma_start3A_259 = arith.constant 0 : i32
        %dma_start3A_260 = arith.constant 0 : i32
        %dma_start3A_261 = tpu.memref_slice %arg2[%dma_start3A_259, %dma_start3A_260] : memref<10000x128xf32, #tpu.memory_space<hbm>> -> memref<10000x128xf32, #tpu.memory_space<hbm>>
        tpu.enqueue_indirect_dma source(%dma_start3A_261 : memref<10000x128xf32, #tpu.memory_space<hbm>>) target(%dma_start3A_257 : memref<128x128xf32, #tpu.memory_space<vmem>>) offsets(%dma_start3A_258 : memref<128xi32, #tpu.memory_space<vmem>>) semaphore(%arg12 : memref<!tpu.dma_semaphore, #tpu.memory_space<semaphore_mem>>)
        %dma_start3A_262 = arith.constant 0 : i32
        %dma_start3A_263 = arith.constant 0 : i32
        %dma_start3A_264 = tpu.memref_slice %arg9[%dma_start3A_262, %dma_start3A_263] : memref<128x128xf32, #tpu.memory_space<vmem>> -> memref<128x128xf32, #tpu.memory_space<vmem>>
        %dma_start3A_265 = tpu.memref_slice %arg7[%mul3A_254] : memref<10000xi32, #tpu.memory_space<vmem>> -> memref<128xi32, #tpu.memory_space<vmem>>
        %dma_start3A_266 = arith.constant 0 : i32
        %dma_start3A_267 = arith.constant 0 : i32
        %dma_start3A_268 = tpu.memref_slice %arg2[%dma_start3A_266, %dma_start3A_267] : memref<10000x128xf32, #tpu.memory_space<hbm>> -> memref<10000x128xf32, #tpu.memory_space<hbm>>
        tpu.enqueue_indirect_dma source(%dma_start3A_268 : memref<10000x128xf32, #tpu.memory_space<hbm>>) target(%dma_start3A_264 : memref<128x128xf32, #tpu.memory_space<vmem>>) offsets(%dma_start3A_265 : memref<128xi32, #tpu.memory_space<vmem>>) semaphore(%arg12 : memref<!tpu.dma_semaphore, #tpu.memory_space<semaphore_mem>>)
      } else {
      }
      %mul3A_182 = arith.constant 2 : i32
      %mul3A_183 = arith.muli %mul3A_182, %scan3A_96 : i32
      %add3A_184 = arith.constant 1 : i32
      %add3A_185 = arith.addi %mul3A_183, %add3A_184 : i32
      %mul3A_186 = arith.constant 128 : i32
      %mul3A_187 = arith.muli %add3A_185, %mul3A_186 : i32
      %dma_wait3A_188 = arith.constant 0 : i32
      %dma_wait3A_189 = arith.constant 0 : i32
      %dma_wait3A_190 = tpu.memref_slice %arg10[%dma_wait3A_188, %dma_wait3A_189] : memref<128x128xf32, #tpu.memory_space<vmem>> -> memref<128x128xf32, #tpu.memory_space<vmem>>
      %dma_wait3A_191 = tpu.memref_slice %arg6[%mul3A_187] : memref<10000xi32, #tpu.memory_space<vmem>> -> memref<128xi32, #tpu.memory_space<vmem>>
      %dma_wait3A_192 = arith.constant 0 : i32
      %dma_wait3A_193 = arith.constant 0 : i32
      %dma_wait3A_194 = tpu.memref_slice %arg2[%dma_wait3A_192, %dma_wait3A_193] : memref<10000x128xf32, #tpu.memory_space<hbm>> -> memref<10000x128xf32, #tpu.memory_space<hbm>>
      tpu.wait_indirect_dma semaphore(%arg13 : memref<!tpu.dma_semaphore, #tpu.memory_space<semaphore_mem>>) src(%dma_wait3A_194 : memref<10000x128xf32, #tpu.memory_space<hbm>>) dst(%dma_wait3A_190 : memref<128x128xf32, #tpu.memory_space<vmem>>)
      %dma_wait3A_195 = arith.constant 0 : i32
      %dma_wait3A_196 = arith.constant 0 : i32
      %dma_wait3A_197 = tpu.memref_slice %arg11[%dma_wait3A_195, %dma_wait3A_196] : memref<128x128xf32, #tpu.memory_space<vmem>> -> memref<128x128xf32, #tpu.memory_space<vmem>>
      %dma_wait3A_198 = tpu.memref_slice %arg7[%mul3A_187] : memref<10000xi32, #tpu.memory_space<vmem>> -> memref<128xi32, #tpu.memory_space<vmem>>
      %dma_wait3A_199 = arith.constant 0 : i32
      %dma_wait3A_200 = arith.constant 0 : i32
      %dma_wait3A_201 = tpu.memref_slice %arg2[%dma_wait3A_199, %dma_wait3A_200] : memref<10000x128xf32, #tpu.memory_space<hbm>> -> memref<10000x128xf32, #tpu.memory_space<hbm>>
      tpu.wait_indirect_dma semaphore(%arg13 : memref<!tpu.dma_semaphore, #tpu.memory_space<semaphore_mem>>) src(%dma_wait3A_201 : memref<10000x128xf32, #tpu.memory_space<hbm>>) dst(%dma_wait3A_197 : memref<128x128xf32, #tpu.memory_space<vmem>>)
      %mul3A_202 = arith.constant 2 : i32
      %mul3A_203 = arith.muli %mul3A_202, %scan3A_96 : i32
      %add3A_204 = arith.constant 1 : i32
      %add3A_205 = arith.addi %mul3A_203, %add3A_204 : i32
      %mul3A_206 = arith.constant 128 : i32
      %mul3A_207 = arith.muli %add3A_205, %mul3A_206 : i32
      %add3A_208 = arith.addi %mul3A_2, %mul3A_207 : i32
      %dma_start3A_209 = arith.constant 0 : i32
      %dma_start3A_210 = arith.constant 0 : i32
      %dma_start3A_211 = tpu.memref_slice %arg10[%dma_start3A_209, %dma_start3A_210] : memref<128x128xf32, #tpu.memory_space<vmem>> -> memref<128x128xf32, #tpu.memory_space<vmem>>
      %dma_start3A_212 = arith.constant 0 : i32
      %dma_start3A_213 = tpu.memref_slice %arg5[%add3A_208, %dma_start3A_212] : memref<320000x256xf32, #tpu.memory_space<hbm>> -> memref<128x128xf32, #tpu.memory_space<hbm>>
      %dma_start3A_214 = arith.constant 0 : i32
      %dma_start3A_215 = tpu.memref_slice %arg5[%add3A_208, %dma_start3A_214] : memref<320000x256xf32, #tpu.memory_space<hbm>> -> memref<128x128xf32, #tpu.memory_space<hbm>>
      %dma_start3A_216 = arith.constant 0 : i32
      %dma_start3A_217 = arith.constant 0 : i32
      %dma_start3A_218 = tpu.memref_slice %arg10[%dma_start3A_216, %dma_start3A_217] : memref<128x128xf32, #tpu.memory_space<vmem>> -> memref<128x128xf32, #tpu.memory_space<vmem>>
      tpu.enqueue_dma source(%dma_start3A_218 : memref<128x128xf32, #tpu.memory_space<vmem>>) target(%dma_start3A_215 : memref<128x128xf32, #tpu.memory_space<hbm>>) target_semaphore(%arg14 : memref<!tpu.dma_semaphore, #tpu.memory_space<semaphore_mem>>)
      %dma_start3A_219 = arith.constant 0 : i32
      %dma_start3A_220 = arith.constant 0 : i32
      %dma_start3A_221 = tpu.memref_slice %arg11[%dma_start3A_219, %dma_start3A_220] : memref<128x128xf32, #tpu.memory_space<vmem>> -> memref<128x128xf32, #tpu.memory_space<vmem>>
      %dma_start3A_222 = arith.constant 128 : i32
      %dma_start3A_223 = tpu.memref_slice %arg5[%add3A_208, %dma_start3A_222] : memref<320000x256xf32, #tpu.memory_space<hbm>> -> memref<128x128xf32, #tpu.memory_space<hbm>>
      %dma_start3A_224 = arith.constant 128 : i32
      %dma_start3A_225 = tpu.memref_slice %arg5[%add3A_208, %dma_start3A_224] : memref<320000x256xf32, #tpu.memory_space<hbm>> -> memref<128x128xf32, #tpu.memory_space<hbm>>
      %dma_start3A_226 = arith.constant 0 : i32
      %dma_start3A_227 = arith.constant 0 : i32
      %dma_start3A_228 = tpu.memref_slice %arg11[%dma_start3A_226, %dma_start3A_227] : memref<128x128xf32, #tpu.memory_space<vmem>> -> memref<128x128xf32, #tpu.memory_space<vmem>>
      tpu.enqueue_dma source(%dma_start3A_228 : memref<128x128xf32, #tpu.memory_space<vmem>>) target(%dma_start3A_225 : memref<128x128xf32, #tpu.memory_space<hbm>>) target_semaphore(%arg14 : memref<!tpu.dma_semaphore, #tpu.memory_space<semaphore_mem>>)
      %dma_wait3A_229 = arith.constant 0 : i32
      %dma_wait3A_230 = arith.constant 0 : i32
      %dma_wait3A_231 = tpu.memref_slice %arg10[%dma_wait3A_229, %dma_wait3A_230] : memref<128x128xf32, #tpu.memory_space<vmem>> -> memref<128x128xf32, #tpu.memory_space<vmem>>
      %dma_wait3A_232 = arith.constant 0 : i32
      %dma_wait3A_233 = tpu.memref_slice %arg5[%add3A_208, %dma_wait3A_232] : memref<320000x256xf32, #tpu.memory_space<hbm>> -> memref<128x128xf32, #tpu.memory_space<hbm>>
      %dma_wait3A_234 = arith.constant 0 : i32
      %dma_wait3A_235 = tpu.memref_slice %arg5[%add3A_208, %dma_wait3A_234] : memref<320000x256xf32, #tpu.memory_space<hbm>> -> memref<128x128xf32, #tpu.memory_space<hbm>>
      %dma_wait3A_236 = arith.constant 0 : i32
      %dma_wait3A_237 = arith.constant 0 : i32
      %dma_wait3A_238 = tpu.memref_slice %arg10[%dma_wait3A_236, %dma_wait3A_237] : memref<128x128xf32, #tpu.memory_space<vmem>> -> memref<128x128xf32, #tpu.memory_space<vmem>>
      tpu.wait_dma2 semaphore(%arg14 : memref<!tpu.dma_semaphore, #tpu.memory_space<semaphore_mem>>) src(%dma_wait3A_238 : memref<128x128xf32, #tpu.memory_space<vmem>>) dst(%dma_wait3A_235 : memref<128x128xf32, #tpu.memory_space<hbm>>)
      %dma_wait3A_239 = arith.constant 0 : i32
      %dma_wait3A_240 = arith.constant 0 : i32
      %dma_wait3A_241 = tpu.memref_slice %arg11[%dma_wait3A_239, %dma_wait3A_240] : memref<128x128xf32, #tpu.memory_space<vmem>> -> memref<128x128xf32, #tpu.memory_space<vmem>>
      %dma_wait3A_242 = arith.constant 128 : i32
      %dma_wait3A_243 = tpu.memref_slice %arg5[%add3A_208, %dma_wait3A_242] : memref<320000x256xf32, #tpu.memory_space<hbm>> -> memref<128x128xf32, #tpu.memory_space<hbm>>
      %dma_wait3A_244 = arith.constant 128 : i32
      %dma_wait3A_245 = tpu.memref_slice %arg5[%add3A_208, %dma_wait3A_244] : memref<320000x256xf32, #tpu.memory_space<hbm>> -> memref<128x128xf32, #tpu.memory_space<hbm>>
      %dma_wait3A_246 = arith.constant 0 : i32
      %dma_wait3A_247 = arith.constant 0 : i32
      %dma_wait3A_248 = tpu.memref_slice %arg11[%dma_wait3A_246, %dma_wait3A_247] : memref<128x128xf32, #tpu.memory_space<vmem>> -> memref<128x128xf32, #tpu.memory_space<vmem>>
      tpu.wait_dma2 semaphore(%arg14 : memref<!tpu.dma_semaphore, #tpu.memory_space<semaphore_mem>>) src(%dma_wait3A_248 : memref<128x128xf32, #tpu.memory_space<vmem>>) dst(%dma_wait3A_245 : memref<128x128xf32, #tpu.memory_space<hbm>>)
    }
    %scan3A_22 = arith.constant 39 : i32
    %dma_start3A_23 = arith.constant 0 : i32
    %dma_start3A_24 = arith.constant 0 : i32
    %dma_start3A_25 = tpu.memref_slice %arg8[%dma_start3A_23, %dma_start3A_24] : memref<128x128xf32, #tpu.memory_space<vmem>> -> memref<16x128xf32, #tpu.memory_space<vmem>>
    %dma_start3A_26 = arith.constant 9984 : i32
    %dma_start3A_27 = tpu.memref_slice %arg6[%dma_start3A_26] : memref<10000xi32, #tpu.memory_space<vmem>> -> memref<16xi32, #tpu.memory_space<vmem>>
    %dma_start3A_28 = arith.constant 0 : i32
    %dma_start3A_29 = arith.constant 0 : i32
    %dma_start3A_30 = tpu.memref_slice %arg2[%dma_start3A_28, %dma_start3A_29] : memref<10000x128xf32, #tpu.memory_space<hbm>> -> memref<10000x128xf32, #tpu.memory_space<hbm>>
    tpu.enqueue_indirect_dma source(%dma_start3A_30 : memref<10000x128xf32, #tpu.memory_space<hbm>>) target(%dma_start3A_25 : memref<16x128xf32, #tpu.memory_space<vmem>>) offsets(%dma_start3A_27 : memref<16xi32, #tpu.memory_space<vmem>>) semaphore(%arg12 : memref<!tpu.dma_semaphore, #tpu.memory_space<semaphore_mem>>)
    %dma_start3A_31 = arith.constant 0 : i32
    %dma_start3A_32 = arith.constant 0 : i32
    %dma_start3A_33 = tpu.memref_slice %arg9[%dma_start3A_31, %dma_start3A_32] : memref<128x128xf32, #tpu.memory_space<vmem>> -> memref<16x128xf32, #tpu.memory_space<vmem>>
    %dma_start3A_34 = arith.constant 9984 : i32
    %dma_start3A_35 = tpu.memref_slice %arg7[%dma_start3A_34] : memref<10000xi32, #tpu.memory_space<vmem>> -> memref<16xi32, #tpu.memory_space<vmem>>
    %dma_start3A_36 = arith.constant 0 : i32
    %dma_start3A_37 = arith.constant 0 : i32
    %dma_start3A_38 = tpu.memref_slice %arg2[%dma_start3A_36, %dma_start3A_37] : memref<10000x128xf32, #tpu.memory_space<hbm>> -> memref<10000x128xf32, #tpu.memory_space<hbm>>
    tpu.enqueue_indirect_dma source(%dma_start3A_38 : memref<10000x128xf32, #tpu.memory_space<hbm>>) target(%dma_start3A_33 : memref<16x128xf32, #tpu.memory_space<vmem>>) offsets(%dma_start3A_35 : memref<16xi32, #tpu.memory_space<vmem>>) semaphore(%arg12 : memref<!tpu.dma_semaphore, #tpu.memory_space<semaphore_mem>>)
    %dma_wait3A = arith.constant 0 : i32
    %dma_wait3A_39 = arith.constant 0 : i32
    %dma_wait3A_40 = tpu.memref_slice %arg8[%dma_wait3A, %dma_wait3A_39] : memref<128x128xf32, #tpu.memory_space<vmem>> -> memref<16x128xf32, #tpu.memory_space<vmem>>
    %dma_wait3A_41 = arith.constant 9984 : i32
    %dma_wait3A_42 = tpu.memref_slice %arg6[%dma_wait3A_41] : memref<10000xi32, #tpu.memory_space<vmem>> -> memref<16xi32, #tpu.memory_space<vmem>>
    %dma_wait3A_43 = arith.constant 0 : i32
    %dma_wait3A_44 = arith.constant 0 : i32
    %dma_wait3A_45 = tpu.memref_slice %arg2[%dma_wait3A_43, %dma_wait3A_44] : memref<10000x128xf32, #tpu.memory_space<hbm>> -> memref<10000x128xf32, #tpu.memory_space<hbm>>
    tpu.wait_indirect_dma semaphore(%arg12 : memref<!tpu.dma_semaphore, #tpu.memory_space<semaphore_mem>>) src(%dma_wait3A_45 : memref<10000x128xf32, #tpu.memory_space<hbm>>) dst(%dma_wait3A_40 : memref<16x128xf32, #tpu.memory_space<vmem>>)
    %dma_wait3A_46 = arith.constant 0 : i32
    %dma_wait3A_47 = arith.constant 0 : i32
    %dma_wait3A_48 = tpu.memref_slice %arg9[%dma_wait3A_46, %dma_wait3A_47] : memref<128x128xf32, #tpu.memory_space<vmem>> -> memref<16x128xf32, #tpu.memory_space<vmem>>
    %dma_wait3A_49 = arith.constant 9984 : i32
    %dma_wait3A_50 = tpu.memref_slice %arg7[%dma_wait3A_49] : memref<10000xi32, #tpu.memory_space<vmem>> -> memref<16xi32, #tpu.memory_space<vmem>>
    %dma_wait3A_51 = arith.constant 0 : i32
    %dma_wait3A_52 = arith.constant 0 : i32
    %dma_wait3A_53 = tpu.memref_slice %arg2[%dma_wait3A_51, %dma_wait3A_52] : memref<10000x128xf32, #tpu.memory_space<hbm>> -> memref<10000x128xf32, #tpu.memory_space<hbm>>
    tpu.wait_indirect_dma semaphore(%arg12 : memref<!tpu.dma_semaphore, #tpu.memory_space<semaphore_mem>>) src(%dma_wait3A_53 : memref<10000x128xf32, #tpu.memory_space<hbm>>) dst(%dma_wait3A_48 : memref<16x128xf32, #tpu.memory_space<vmem>>)
    %add3A_54 = arith.constant 9984 : i32
    %add3A_55 = arith.addi %mul3A_2, %add3A_54 : i32
    %dma_start3A_56 = arith.constant 0 : i32
    %dma_start3A_57 = arith.constant 0 : i32
    %dma_start3A_58 = tpu.memref_slice %arg8[%dma_start3A_56, %dma_start3A_57] : memref<128x128xf32, #tpu.memory_space<vmem>> -> memref<16x128xf32, #tpu.memory_space<vmem>>
    %dma_start3A_59 = arith.constant 0 : i32
    %dma_start3A_60 = tpu.memref_slice %arg5[%add3A_55, %dma_start3A_59] : memref<320000x256xf32, #tpu.memory_space<hbm>> -> memref<16x128xf32, #tpu.memory_space<hbm>>
    %dma_start3A_61 = arith.constant 0 : i32
    %dma_start3A_62 = tpu.memref_slice %arg5[%add3A_55, %dma_start3A_61] : memref<320000x256xf32, #tpu.memory_space<hbm>> -> memref<16x128xf32, #tpu.memory_space<hbm>>
    %dma_start3A_63 = arith.constant 0 : i32
    %dma_start3A_64 = arith.constant 0 : i32
    %dma_start3A_65 = tpu.memref_slice %arg8[%dma_start3A_63, %dma_start3A_64] : memref<128x128xf32, #tpu.memory_space<vmem>> -> memref<16x128xf32, #tpu.memory_space<vmem>>
    tpu.enqueue_dma source(%dma_start3A_65 : memref<16x128xf32, #tpu.memory_space<vmem>>) target(%dma_start3A_62 : memref<16x128xf32, #tpu.memory_space<hbm>>) target_semaphore(%arg14 : memref<!tpu.dma_semaphore, #tpu.memory_space<semaphore_mem>>)
    %dma_start3A_66 = arith.constant 0 : i32
    %dma_start3A_67 = arith.constant 0 : i32
    %dma_start3A_68 = tpu.memref_slice %arg9[%dma_start3A_66, %dma_start3A_67] : memref<128x128xf32, #tpu.memory_space<vmem>> -> memref<16x128xf32, #tpu.memory_space<vmem>>
    %dma_start3A_69 = arith.constant 128 : i32
    %dma_start3A_70 = tpu.memref_slice %arg5[%add3A_55, %dma_start3A_69] : memref<320000x256xf32, #tpu.memory_space<hbm>> -> memref<16x128xf32, #tpu.memory_space<hbm>>
    %dma_start3A_71 = arith.constant 128 : i32
    %dma_start3A_72 = tpu.memref_slice %arg5[%add3A_55, %dma_start3A_71] : memref<320000x256xf32, #tpu.memory_space<hbm>> -> memref<16x128xf32, #tpu.memory_space<hbm>>
    %dma_start3A_73 = arith.constant 0 : i32
    %dma_start3A_74 = arith.constant 0 : i32
    %dma_start3A_75 = tpu.memref_slice %arg9[%dma_start3A_73, %dma_start3A_74] : memref<128x128xf32, #tpu.memory_space<vmem>> -> memref<16x128xf32, #tpu.memory_space<vmem>>
    tpu.enqueue_dma source(%dma_start3A_75 : memref<16x128xf32, #tpu.memory_space<vmem>>) target(%dma_start3A_72 : memref<16x128xf32, #tpu.memory_space<hbm>>) target_semaphore(%arg14 : memref<!tpu.dma_semaphore, #tpu.memory_space<semaphore_mem>>)
    %dma_wait3A_76 = arith.constant 0 : i32
    %dma_wait3A_77 = arith.constant 0 : i32
    %dma_wait3A_78 = tpu.memref_slice %arg8[%dma_wait3A_76, %dma_wait3A_77] : memref<128x128xf32, #tpu.memory_space<vmem>> -> memref<16x128xf32, #tpu.memory_space<vmem>>
    %dma_wait3A_79 = arith.constant 0 : i32
    %dma_wait3A_80 = tpu.memref_slice %arg5[%add3A_55, %dma_wait3A_79] : memref<320000x256xf32, #tpu.memory_space<hbm>> -> memref<16x128xf32, #tpu.memory_space<hbm>>
    %dma_wait3A_81 = arith.constant 0 : i32
    %dma_wait3A_82 = tpu.memref_slice %arg5[%add3A_55, %dma_wait3A_81] : memref<320000x256xf32, #tpu.memory_space<hbm>> -> memref<16x128xf32, #tpu.memory_space<hbm>>
    %dma_wait3A_83 = arith.constant 0 : i32
    %dma_wait3A_84 = arith.constant 0 : i32
    %dma_wait3A_85 = tpu.memref_slice %arg8[%dma_wait3A_83, %dma_wait3A_84] : memref<128x128xf32, #tpu.memory_space<vmem>> -> memref<16x128xf32, #tpu.memory_space<vmem>>
    tpu.wait_dma2 semaphore(%arg14 : memref<!tpu.dma_semaphore, #tpu.memory_space<semaphore_mem>>) src(%dma_wait3A_85 : memref<16x128xf32, #tpu.memory_space<vmem>>) dst(%dma_wait3A_82 : memref<16x128xf32, #tpu.memory_space<hbm>>)
    %dma_wait3A_86 = arith.constant 0 : i32
    %dma_wait3A_87 = arith.constant 0 : i32
    %dma_wait3A_88 = tpu.memref_slice %arg9[%dma_wait3A_86, %dma_wait3A_87] : memref<128x128xf32, #tpu.memory_space<vmem>> -> memref<16x128xf32, #tpu.memory_space<vmem>>
    %dma_wait3A_89 = arith.constant 128 : i32
    %dma_wait3A_90 = tpu.memref_slice %arg5[%add3A_55, %dma_wait3A_89] : memref<320000x256xf32, #tpu.memory_space<hbm>> -> memref<16x128xf32, #tpu.memory_space<hbm>>
    %dma_wait3A_91 = arith.constant 128 : i32
    %dma_wait3A_92 = tpu.memref_slice %arg5[%add3A_55, %dma_wait3A_91] : memref<320000x256xf32, #tpu.memory_space<hbm>> -> memref<16x128xf32, #tpu.memory_space<hbm>>
    %dma_wait3A_93 = arith.constant 0 : i32
    %dma_wait3A_94 = arith.constant 0 : i32
    %dma_wait3A_95 = tpu.memref_slice %arg9[%dma_wait3A_93, %dma_wait3A_94] : memref<128x128xf32, #tpu.memory_space<vmem>> -> memref<16x128xf32, #tpu.memory_space<vmem>>
    tpu.wait_dma2 semaphore(%arg14 : memref<!tpu.dma_semaphore, #tpu.memory_space<semaphore_mem>>) src(%dma_wait3A_95 : memref<16x128xf32, #tpu.memory_space<vmem>>) dst(%dma_wait3A_92 : memref<16x128xf32, #tpu.memory_space<hbm>>)
    return
  }
}

</mosaic_0001>

<sc_bundles>
// kernel: kernel.3.cloned.1.call-start
scs
__scs_entry_jumppad:
0x0: {  	(pc) =	sbr.rel $0x88, $3  }
0x1: {  	(tag) =	ssettag $0x0;
	lr =	simm.s32 $0x1  }
0x2: {  	[smem:$0x3F9E] =	sst lr;
	_ =	strace $0xD0000000  }
0x3: {  	_ = 	snop  }
0x4: {  	_ = 	snop  }
0x5: {  	_ = 	snop  }
0x6: {  	_ = 	snop  }
0x7: {  	_ = 	snop  }
__scs_overlays_trampoline_lowered:
0x8: {  	[smem:$0x3FAD] =	sst s0  }
0x9: {  	[smem:$0x3FAE] =	sst s1  }
0xa: {  	[smem:$0x3FAF] =	sst s2  }
0xb: {  	[smem:$0x3FB0] =	sst s3  }
0xc: {  	[smem:$0x3FB1] =	sst s4  }
0xd: {  	[smem:$0x3FB2] =	sst s5  }
0xe: {  	[smem:$0x3FB3] =	sst s6  }
0xf: {  	[smem:$0x3FB4] =	sst s7  }
0x10: {  	[smem:$0x3FB5] =	sst s8  }
0x11: {  	[smem:$0x3FB6] =	sst s9;
	s0 =	simm.s32 @!p0 $0x0  }
0x12: {  	s1 =	sld [smem:$0x3F9C];
	s0 =	simm.s32 @p0 $0x1  }
0x13: {  	[smem:$0x3FB7] =	sst s0;
	s0 =	simm.s32 @!p1 $0x0  }
0x14: {  	s2 =	sld [smem:$0x3F9B];
	s0 =	simm.s32 @p1 $0x1  }
0x15: {  	[smem:$0x3FB8] =	sst s0;
	s0 =	simm.s32 @!p2 $0x0  }
0x16: {  	s3 =	sld [smem:$0x3FDB];
	s0 =	simm.s32 @p2 $0x1  }
0x17: {  	s4 =	simm.s32 $0x1BF5;
	[smem:$0x3FBA] =	sst s0  }
0x18: {  	s0 =	sld [smem:$0x3F9D];
	_ =	swait.ge [sflag:s4], $0x0  }
0x19: {  	s7 =	sld [smem:$0x3F9E]  }
0x1a: {  	s8 =	sadd.s32 $0xFFFFE003, lr  }
0x1b: {  	s9 =	sadd.s32 $0xFFFFFEF7, lr;
	s5 =	simm.s32 $0xFFFFFFFF;
	p2 =	slt.u32 s8, $0xFFFFF086  }
0x1c: {  	p1 =	slt.u32 s9, $0xF7A;
	s5 =	simm.s32 @!p2 $0x0  }
0x1d: {  	s5 =	simm.s32 @p1 $0x1;
	p0 =	seq.s32 s7, s2  }
0x1e: {  	s7 =	smul.u32 @!p0 $0xF7A, s2;
	p2 =	seq.s32 @!p0 s5, $0x0  }
0x1f: {  	s9 =	smul.u32 $0xF7A, s1;
	s8 =	simm.s32 @!p0 $0x1BF5;
	p2 =	por !p2, p0  }
0x20: {  	[sflag:s8] =	ssyncset.s32 @!p0 $0xFFFFF086;
	s6 =	sadd.s32 @!p0 s3, s7;
	s7 =	simm.s32 @!p0 $0x108  }
0x21: {  	s3 =	sadd.s32 s3, s9;
	s6 =	sadd.s32 @!p0 $0x88, s6;
	s7 =	simm.s32 @p2 $0x1082  }
0x22: {  	[simem:s7], [sflag:s8] =	dma.local @!p0 [hbm:s6], $0xF7A  }
0x23: {  	s9 =	sor.u32 $0xD0000000, s2;
	s6 =	simm.s32 $0x108;
	_ =	swait.ge @!p0 [sflag:s8], $0x0  }
0x24: {  	s3 =	sadd.s32 $0x88, s3;
	s6 =	simm.s32 @!p1 $0x1082;
	[sflag:s4] =	ssyncset.s32 $0xFFFFF086  }
0x25: {  	[simem:s6], [sflag:s4] =	dma.local [hbm:s3], $0xF7A  }
0x26: {  	[smem:$0x3F9E] =	sst s1;
	(tag) =	ssettag s2;
	_ =	strace s9  }
0x27: {  	s1 =	sld [smem:$0x3FAE]  }
0x28: {  	s2 =	sld [smem:$0x3FAF]  }
0x29: {  	s4 =	sld [smem:$0x3FB1]  }
0x2a: {  	p0 =	seq.s32 s5, $0x0;
	s5 =	sld [smem:$0x3FB2]  }
0x2b: {  	s6 =	sld [smem:$0x3FB3]  }
0x2c: {  	s7 =	sld [smem:$0x3FB4]  }
0x2d: {  	s3 =	simm.s32 $0x108;
	s8 =	sld [smem:$0x3FB5]  }
0x2e: {  	s3 =	simm.s32 @!p0 $0x1082;
	s9 =	sld [smem:$0x3FB6]  }
0x2f: {  	lr =	sadd.s32 s0, s3;
	s0 =	sld [smem:$0x3FAD]  }
0x30: {  	s3 =	sld [smem:$0x3FB0]  }
0x31: {  	[smem:$0x3FB9] =	sst s10  }
0x32: {  	s10 =	sld [smem:$0x3FB7];
	_ =	sdelay $0x3  }
0x33: {  	p0 =	seq.s32 s10, $0x1;
	s10 =	sld [smem:$0x3FB9];
	_ =	sdelay $0x3  }
0x34: {  	[smem:$0x3FB9] =	sst s10  }
0x35: {  	s10 =	sld [smem:$0x3FB8];
	_ =	sdelay $0x3  }
0x36: {  	p1 =	seq.s32 s10, $0x1;
	s10 =	sld [smem:$0x3FB9];
	_ =	sdelay $0x3  }
0x37: {  	[smem:$0x3FB9] =	sst s10  }
0x38: {  	s10 =	sld [smem:$0x3FBA]  }
0x39: {  	_ = 	snop;
	(pc) =	sbr.ind lr, $3  }
0x3a: {  	_ = 	snop  }
0x3b: {  	_ = 	snop  }
0x3c: {  	p2 =	seq.s32 s10, $0x1;
	s10 =	sld [smem:$0x3FB9]  }
0x3d: {  	_ =	shalt  }
0x3e: {  	_ =	shalt  }
0x3f: {  	_ =	shalt  }
0x40: {  	_ =	shalt  }
0x41: {  	_ =	shalt  }
0x42: {  	_ =	shalt  }
0x43: {  	_ =	shalt  }
0x44: {  	_ =	shalt  }
0x45: {  	_ =	shalt  }
0x46: {  	_ =	shalt  }
0x47: {  	_ =	shalt  }
0x48: {  	_ =	shalt  }
0x49: {  	_ =	shalt  }
0x4a: {  	_ =	shalt  }
0x4b: {  	_ =	shalt  }
0x4c: {  	_ =	shalt  }
0x4d: {  	_ =	shalt  }
0x4e: {  	_ =	shalt  }
0x4f: {  	_ =	shalt  }
0x50: {  	_ =	shalt  }
0x51: {  	_ =	shalt  }
0x52: {  	_ =	shalt  }
0x53: {  	_ =	shalt  }
0x54: {  	_ =	shalt  }
0x55: {  	_ =	shalt  }
0x56: {  	_ =	shalt  }
0x57: {  	_ =	shalt  }
0x58: {  	_ =	shalt  }
0x59: {  	_ =	shalt  }
0x5a: {  	_ =	shalt  }
0x5b: {  	_ =	shalt  }
0x5c: {  	_ =	shalt  }
0x5d: {  	_ =	shalt  }
0x5e: {  	_ =	shalt  }
0x5f: {  	_ =	shalt  }
0x60: {  	_ =	shalt  }
0x61: {  	_ =	shalt  }
0x62: {  	_ =	shalt  }
0x63: {  	_ =	shalt  }
0x64: {  	_ =	shalt  }
0x65: {  	_ =	shalt  }
0x66: {  	_ =	shalt  }
0x67: {  	_ =	shalt  }
0x68: {  	_ =	shalt  }
0x69: {  	_ =	shalt  }
0x6a: {  	_ =	shalt  }
0x6b: {  	_ =	shalt  }
0x6c: {  	_ =	shalt  }
0x6d: {  	_ =	shalt  }
0x6e: {  	_ =	shalt  }
0x6f: {  	_ =	shalt  }
0x70: {  	_ =	shalt  }
0x71: {  	_ =	shalt  }
0x72: {  	_ =	shalt  }
0x73: {  	_ =	shalt  }
0x74: {  	_ =	shalt  }
0x75: {  	_ =	shalt  }
0x76: {  	_ =	shalt  }
0x77: {  	_ =	shalt  }
0x78: {  	_ =	shalt  }
0x79: {  	_ =	shalt  }
0x7a: {  	_ =	shalt  }
0x7b: {  	_ =	shalt  }
0x7c: {  	_ =	shalt  }
0x7d: {  	_ =	shalt  }
0x7e: {  	_ =	shalt  }
0x7f: {  	_ =	shalt  }
0x80: {  	_ =	shalt  }
0x81: {  	_ =	shalt  }
0x82: {  	_ =	shalt  }
0x83: {  	_ =	shalt  }
0x84: {  	_ =	shalt  }
0x85: {  	_ =	shalt  }
0x86: {  	_ =	shalt  }
0x87: {  	_ =	shalt  }
.Lfunc_end0:
.L_simem_size_0:
called_computation_lowered:
.L_overlay_start_0:
0x88: {  	s2 =	sld [smem:$0x3FD9]  }
0x89: {  	s3 =	sld [smem:$0x3FFE];
	_ =	sdelay $0x1  }
0x8a: {  	s1 =	srdreg.scid  }
0x8b: {  	s0 =	sand.u32 $0x1, s1  }
0x8c: {  	s17 =	sshll.u32 s0, $0xA;
	s2 =	sadd.s32 s3, s2  }
0x8d: {  	s2 =	sadd.s32 s2, s17  }
0x8e: {  	[smem:$0x3FC5] =	sst s2  }
0x8f: {  	_ = 	snop  }
0x90: {  	s2 =	sld [smem:$0x3FC9]  }
0x91: {  	s18 =	sld [smem:$0x3FD0];
	(tm) =	ssettm $0x1  }
0x92: {  	s4 =	sld [smem:$0x3FFB];
	_ =	sdelay $0x3  }
0x93: {  	_ =	strace s4  }
0x94: {  	s4 =	sld [smem:$0x3FFC];
	_ =	sdelay $0x3  }
0x95: {  	_ =	strace s4  }
0x96: {  	s4 =	sld [smem:$0x3FFD];
	_ =	sdelay $0x3  }
0x97: {  	_ =	strace s4  }
0x98: {  	_ =	strace $0x8FFFFFFF  }
0x99: {  	s19 =	sld [smem:$0x3FDB];
	_ =	sdelay $0x1  }
0x9a: {  	s5 =	simm.s32 $_scs_section_size  }
0x9b: {  	s6 =	simm.s32 $_size__tile_overlayer_lowered;
	s7 =	simm.s32 $_tile_overlayer_lowered  }
0x9c: {  	s22 =	simm.s32 $0x1BFF;
	s21 =	sshll.u32 s7, $0x1;
	s4 =	sadd.s32 s5, s19  }
0x9d: {  	s8 =	simm.s32 $0x0;
	s20 =	sshll.u32 s6, $0x1;
	s6 =	sadd.s32 s21, s4  }
0x9e: {  	[timem:s8], [sflag:s22] =	dma.local [hbm:s6], s20  }
0x9f: {  	_ =	swait.ge [sflag:s22], s20  }
0xa0: {  	s5 =	ssub.s32 $0x0, s20;
	[sflag:s22] =	ssyncset.done $0x0  }
0xa1: {  	[sflag:s22] =	ssyncadd.s32 s5;
	_ =	sdelay $0x1  }
0xa2: {  	s23 =	simm.s32 $0x1B8B  }
0xa3: {  	_ =	swait.ge [sflag:s23], $0x1  }
0xa4: {  	[sflag:s23] =	ssyncset.done $0x0  }
0xa5: {  	s25 =	simm.s32 $0x1B8E;
	s24 =	sld [smem:$0x3FFE];
	[sflag:s23] =	ssyncadd.s32 $0xFFFFFFFF  }
0xa6: {  	s26 =	simm.s32 $execute0_lowered;
	[smem:$0x3FD2] =	sst s25  }
0xa7: {  	s6 =	sshll.u32 s26, $0x1;
	_ =	strace $0x80000046;
	[dreg:$0x1] =	wrdreg $0xFFFFFFFF  }
0xa8: {  	s28 =	simm.s32 $_size_execute0_lowered;
	s4 =	sadd.s32 s4, s6;
	[dreg:$0x0] =	wrdreg $0x0  }
0xa9: {  	s6 =	sshll.u32 s28, $0x1;
	[dreg:$0x2] =	wrdreg s4  }
0xaa: {  	[dreg:$0x3] =	wrdreg s6  }
0xab: {  	[dreg:$0x4] =	wrdreg $0xC0  }
0xac: {  	_ =	task [dreg:s8], $0x5FFFF  }
0xad: {  	[dreg:$0x1] =	wrdreg $0xFFFFFFFF  }
0xae: {  	[dreg:$0x0] =	wrdreg $0x60  }
0xaf: {  	[dreg:$0x2] =	wrdreg s2  }
0xb0: {  	[dreg:$0x3] =	wrdreg s24  }
0xb1: {  	[dreg:$0x4] =	wrdreg s18  }
0xb2: {  	[dreg:$0x5] =	wrdreg $0x9  }
0xb3: {  	_ =	task.clear_ibuf [dreg:s8], $0x6FFFF;
	_ =	strace $0x90000046  }
0xb4: {  	s29 =	simm.s32 $0x9;
	_ =	strace $0x80000048  }
0xb5: {  	_ =	swait.ge [sflag:s29], $0x1  }
0xb6: {  	[sflag:s29] =	ssyncadd.s32 $0xFFFFFFFF  }
0xb7: {  	_ =	strace $0x90000048  }
0xb8: {  	_ =	sfence  }
0xb9: {  	s30 =	sld [smem:$0x0];
	_ =	sdelay $0x2  }
0xba: {  	s31 =	sshll.u32 s1, $0xD;
	s1 =	sshrl.u32 s1, $0x2  }
0xbb: {  	s3 =	sand.u32 $0x4000, s31;
	s1 =	sadd.s32 s1, s30  }
0xbc: {  	s0 =	sor.u32 s3, s0;
	s1 =	sshll.u32 s1, $0x11  }
0xbd: {  	s0 =	sor.u32 s1, s0  }
0xbe: {  	s0 =	sadd.s32 $0x8F2B, s0  }
0xbf: {  	[sflag:s0] =	ssyncadd.remote.s32 $0x1  }
0xc0: {  	_ =	sfence.sel $0xFFFF  }
0xc1: {  	[dreg:$0x0] =	wrdreg $0xFFFFFFFF;
	(pc) =	sbr.abs _section_cstart, $3  }
0xc2: {  	[dreg:$0x1] =	wrdreg $0xFFFFFFFF  }
0xc3: {  	_ =	task.clear_ibuf [dreg:s8], $0x2FFFF;
	_ =	strace $0x9FFFFFFF  }
0xc4: {  	(tm) =	ssettm $0x7FFFFFFF  }
0xc5: {  	_ =	shalt  }
tec
execute0_lowered:
.L_overlay_start_1:
0x0: {  	(tag) =	ssettag $0x1  }
0x1: {  	s1 =	rddreg [dreg:$0x0]  }
0x2: {  	s0 =	srdreg.scid;
	s4 =	rddreg [dreg:$0x1]  }
0x3: {  	s15 =	stileid.u32;
	s13 =	rddreg [dreg:$0x2];
	s28 =	simm.s32 $0x0  }
0x4: {  	s16 =	simm.s32 $0x4;
	s17 =	simm.s32 $0x2780;
	s18 =	simm.s32 $0x4F00  }
0x5: {  	s19 =	simm.s32 $0x8F00;
	s20 =	simm.s32 $0x80;
	s21 =	simm.s32 $0xCF00  }
0x6: {  	s22 =	simm.s32 $0x10F00;
	s23 =	simm.s32 $0x1;
	s24 =	simm.s32 $0x800  }
0x7: {  	s25 =	simm.s32 $0x3;
	s26 =	simm.s32 $0x2;
	s11 =	smul.u32 $0x4E2000, s15  }
0x8: {  	s2 =	sshll.u32 s15, $0x1;
	s3 =	sshrl.u32 s15, $0x2;
	s15 =	smul.u32 $0x9C400, s15  }
0x9: {  	s30 =	simm.s32 $0x10;
	s0 =	sand.u32 $0x1, s0;
	s5 =	smul.u32 $0x13C00, s3  }
0xa: {  	[smem:$0x7FF] =	sst s28;
	s12 =	sadd.s32 $0x80, s13;
	s14 =	smul.u32 $0x271000, s0  }
0xb: {  	s2 =	sor.u32 s0, s2;
	s29 =	ssub.s32 $0x2, s0;
	s0 =	smul.u32 $0x4E200, s0  }
0xc: {  	_ =	strace $0x80000047;
	s6 =	sshll.u32 s2, $0x7;
	s8 =	smul.u32 $0x271000, s2  }
0xd: {  	s7 =	sshrl.u32 s29, $0x1;
	s2 =	smul.u32 $0x4E200, s2;
	s15 =	sadd.s32 s15, s13  }
0xe: {  	s6 =	sand.u32 $0x380, s6;
	s9 =	ssub.s32 s29, s7;
	s14 =	sadd.s32 s14, s11  }
0xf: {  	s5 =	sor.u32 s5, s6;
	s10 =	sshrl.u32 s8, $0x3;
	s8 =	smax.u32 s9, $0x1  }
0x10: {  	s2 =	sadd.s32 $0x4D000, s2;
	s14 =	sshrl.u32 s14, $0x3;
	s5 =	sshrl.u32 s5, $0x3  }
0x11: {  	s31 =	sadd.s32 s13, s10;
	s10 =	sadd.s32 $0x4C000, s10;
	s11 =	sadd.s32 s13, s2  }
0x12: {  	s5 =	sadd.s32 s5, s4;
	s6 =	sadd.s32 $0x4E000, s31;
	s7 =	sadd.s32 $0x4E080, s31  }
0x13: {  	s9 =	sadd.s32 s13, s10;
	s10 =	sadd.s32 s10, s12;
	s12 =	sadd.s32 s2, s12  }
0x14: {  	s13 =	sadd.s32 s14, s13;
	s14 =	sadd.s32 s0, s15;
	s15 =	simm.s32 $0x400  }
0x15: {  	s0 =	simm.s32 $0x0;
	s4 =	sadd.s32 $0x600, s5;
	s5 =	sadd.s32 $0xA400, s5  }
.LBB2_1:
0x16: {  	s2 =	simm.s32 $0x0  }
0x17: {  	[tilespmem:s2], [sflag:$0x4] =	stream.strided.gather [hbm4b:s4+s20], $0x2780, s15, s20, $0x38;
	[tilespmem:$0x14F00] =	vst v63  }
0x18: {  	_ =	swait.ge [sflag:s16], $0x2780  }
0x19: {  	[sflag:s16] =	ssyncset.done $0x0  }
0x1a: {  	[sflag:s16] =	ssyncadd.s32 $0xFFFFD880  }
0x1b: {  	[tilespmem:s17], [sflag:$0x4] =	stream.strided.gather [hbm4b:s5+s20], $0x2780, s15, s20, $0x38;
	[tilespmem:$0x14F00] =	vst v63  }
0x1c: {  	_ =	swait.ge [sflag:s16], $0x2780  }
0x1d: {  	[sflag:s16] =	ssyncset.done $0x0  }
0x1e: {  	[sflag:s16] =	ssyncadd.s32 $0xFFFFD880  }
0x1f: {  	[tilespmem:s18], [sflag:$0x1] =	stream.indirect.gather [hbm4b:s1+s20], $0x80, s2, s20, $0xb8;
	[tilespmem:$0x14F00] =	vst v63  }
0x20: {  	_ = 	snop  }
0x21: {  	[tilespmem:s19], [sflag:$0x1] =	stream.indirect.gather [hbm4b:s1+s20], $0x80, s17, s20, $0xb8;
	[tilespmem:$0x14F00] =	vst v63  }
0x22: {  	_ = 	snop  }
0x23: {  	[tilespmem:s21], [sflag:$0x2] =	stream.indirect.gather [hbm4b:s1+s20], $0x80, s20, s20, $0xb8;
	[tilespmem:$0x14F00] =	vst v63  }
0x24: {  	s28 =	simm.s32 $0x2800  }
0x25: {  	[tilespmem:s22], [sflag:$0x2] =	stream.indirect.gather [hbm4b:s1+s20], $0x80, s28, s20, $0xb8;
	[tilespmem:$0x14F00] =	vst v63  }
0x26: {  	_ =	swait.ge [sflag:s23], $0x4000  }
0x27: {  	[sflag:s23] =	ssyncset.done $0x0  }
0x28: {  	[sflag:s23] =	ssyncadd.s32 $0xFFFFC000  }
0x29: {  	_ =	swait.ge [sflag:s23], $0x4000  }
0x2a: {  	[sflag:s23] =	ssyncset.done $0x0  }
0x2b: {  	s29 =	sadd.s32 $0x0, s13;
	[sflag:s23] =	ssyncadd.s32 $0xFFFFC000  }
0x2c: {  	[hbm4b:s29+s15] =	stream.strided.scatter [tilespmem:s18], [sflag:$0x3], $0x4000, s24, s15, $0x38;
	[tilespmem:$0x14F00] =	vst v63  }
0x2d: {  	s29 =	sadd.s32 $0x80, s29  }
0x2e: {  	[hbm4b:s29+s15] =	stream.strided.scatter [tilespmem:s19], [sflag:$0x3], $0x4000, s24, s15, $0x38;
	[tilespmem:$0x14F00] =	vst v63  }
0x2f: {  	_ =	swait.ge [sflag:s25], $0x4000  }
0x30: {  	[sflag:s25] =	ssyncset.done $0x0  }
0x31: {  	[sflag:s25] =	ssyncadd.s32 $0xFFFFC000  }
0x32: {  	_ =	swait.ge [sflag:s25], $0x4000  }
0x33: {  	[sflag:s25] =	ssyncset.done $0x0  }
0x34: {  	s29 =	simm.s32 $0x100;
	[sflag:s25] =	ssyncadd.s32 $0xFFFFC000  }
0x35: {  	[tilespmem:s18], [sflag:$0x1] =	stream.indirect.gather [hbm4b:s1+s20], $0x80, s29, s20, $0xb8;
	[tilespmem:$0x14F00] =	vst v63  }
0x36: {  	s29 =	simm.s32 $0x2880  }
0x37: {  	[tilespmem:s19], [sflag:$0x1] =	stream.indirect.gather [hbm4b:s1+s20], $0x80, s29, s20, $0xb8;
	[tilespmem:$0x14F00] =	vst v63  }
0x38: {  	_ =	swait.ge [sflag:s26], $0x4000  }
0x39: {  	[sflag:s26] =	ssyncset.done $0x0  }
0x3a: {  	[sflag:s26] =	ssyncadd.s32 $0xFFFFC000  }
0x3b: {  	_ =	swait.ge [sflag:s26], $0x4000  }
0x3c: {  	s29 =	sadd.s32 $0x0, s14;
	[sflag:s26] =	ssyncset.done $0x0  }
0x3d: {  	s31 =	sadd.s32 $0x1000, s29;
	[sflag:s26] =	ssyncadd.s32 $0xFFFFC000  }
0x3e: {  	[hbm4b:s31+s15] =	stream.strided.scatter [tilespmem:s21], [sflag:$0x3], $0x4000, s24, s15, $0x38;
	[tilespmem:$0x14F00] =	vst v63  }
0x3f: {  	s29 =	sadd.s32 $0x1080, s29  }
0x40: {  	[hbm4b:s29+s15] =	stream.strided.scatter [tilespmem:s22], [sflag:$0x3], $0x4000, s24, s15, $0x38;
	[tilespmem:$0x14F00] =	vst v63  }
0x41: {  	_ =	swait.ge [sflag:s25], $0x4000  }
0x42: {  	[sflag:s25] =	ssyncset.done $0x0  }
0x43: {  	[sflag:s25] =	ssyncadd.s32 $0xFFFFC000  }
0x44: {  	_ =	swait.ge [sflag:s25], $0x4000  }
0x45: {  	s31 =	simm.s32 $0x80;
	s29 =	simm.s32 $0x2000;
	[sflag:s25] =	ssyncset.done $0x0  }
.LBB2_2:
0x46: {  	[sflag:s25] =	ssyncadd.s32 $0xFFFFC000;
	s31 =	sadd.s32 $0x100, s31;
	s28 =	sadd.s32 $0x100, s28  }
0x47: {  	[tilespmem:s21], [sflag:$0x2] =	stream.indirect.gather [hbm4b:s1+s20], $0x80, s31, s20, $0xb8;
	[tilespmem:$0x14F00] =	vst v63  }
0x48: {  	p0 =	sne.s32 s29, $0x4A000;
	s2 =	smov.u32 s29;
	s29 =	sadd.s32 $0x2000, s29  }
0x49: {  	[tilespmem:s22], [sflag:$0x2] =	stream.indirect.gather [hbm4b:s1+s20], $0x80, s28, s20, $0xb8;
	[tilespmem:$0x14F00] =	vst v63  }
0x4a: {  	_ =	swait.ge [sflag:s23], $0x4000  }
0x4b: {  	[sflag:s23] =	ssyncset.done $0x0  }
0x4c: {  	[sflag:s23] =	ssyncadd.s32 $0xFFFFC000  }
0x4d: {  	_ =	swait.ge [sflag:s23], $0x4000  }
0x4e: {  	[sflag:s23] =	ssyncset.done $0x0  }
0x4f: {  	s3 =	sadd.s32 s2, s13;
	[sflag:s23] =	ssyncadd.s32 $0xFFFFC000  }
0x50: {  	[hbm4b:s3+s15] =	stream.strided.scatter [tilespmem:s18], [sflag:$0x3], $0x4000, s24, s15, $0x38;
	[tilespmem:$0x14F00] =	vst v63  }
0x51: {  	s3 =	sadd.s32 $0x80, s3  }
0x52: {  	[hbm4b:s3+s15] =	stream.strided.scatter [tilespmem:s19], [sflag:$0x3], $0x4000, s24, s15, $0x38;
	[tilespmem:$0x14F00] =	vst v63  }
0x53: {  	_ =	swait.ge [sflag:s25], $0x4000  }
0x54: {  	[sflag:s25] =	ssyncset.done $0x0  }
0x55: {  	[sflag:s25] =	ssyncadd.s32 $0xFFFFC000  }
0x56: {  	_ =	swait.ge [sflag:s25], $0x4000  }
0x57: {  	[sflag:s25] =	ssyncset.done $0x0  }
0x58: {  	s3 =	sadd.s32 $0x80, s31;
	[sflag:s25] =	ssyncadd.s32 $0xFFFFC000  }
0x59: {  	[tilespmem:s18], [sflag:$0x1] =	stream.indirect.gather [hbm4b:s1+s20], $0x80, s3, s20, $0xb8;
	[tilespmem:$0x14F00] =	vst v63  }
0x5a: {  	s3 =	sadd.s32 $0x80, s28  }
0x5b: {  	[tilespmem:s19], [sflag:$0x1] =	stream.indirect.gather [hbm4b:s1+s20], $0x80, s3, s20, $0xb8;
	[tilespmem:$0x14F00] =	vst v63  }
0x5c: {  	_ =	swait.ge [sflag:s26], $0x4000  }
0x5d: {  	[sflag:s26] =	ssyncset.done $0x0  }
0x5e: {  	[sflag:s26] =	ssyncadd.s32 $0xFFFFC000  }
0x5f: {  	_ =	swait.ge [sflag:s26], $0x4000  }
0x60: {  	s2 =	sadd.s32 s2, s14;
	[sflag:s26] =	ssyncset.done $0x0  }
0x61: {  	s3 =	sadd.s32 $0x1000, s2;
	[sflag:s26] =	ssyncadd.s32 $0xFFFFC000  }
0x62: {  	[hbm4b:s3+s15] =	stream.strided.scatter [tilespmem:s21], [sflag:$0x3], $0x4000, s24, s15, $0x38;
	[tilespmem:$0x14F00] =	vst v63  }
0x63: {  	s2 =	sadd.s32 $0x1080, s2  }
0x64: {  	[hbm4b:s2+s15] =	stream.strided.scatter [tilespmem:s22], [sflag:$0x3], $0x4000, s24, s15, $0x38;
	[tilespmem:$0x14F00] =	vst v63  }
.Ltmp0:
0x65: {  	_ =	swait.ge [sflag:s25], $0x4000;
	(pc) =	sbr.rel @p0 .LBB2_2-.Ltmp0, $4  }
0x66: {  	[sflag:s25] =	ssyncset.done $0x0  }
0x67: {  	[sflag:s25] =	ssyncadd.s32 $0xFFFFC000  }
0x68: {  	_ =	swait.ge [sflag:s25], $0x4000  }
0x69: {  	[sflag:s25] =	ssyncset.done $0x0  }
0x6a: {  	[sflag:s25] =	ssyncadd.s32 $0xFFFFC000;
	s2 =	simm.s32 $0x2680  }
0x6b: {  	[tilespmem:s21], [sflag:$0x2] =	stream.indirect.gather [hbm4b:s1+s20], $0x80, s2, s20, $0xb8;
	[tilespmem:$0x14F00] =	vst v63  }
0x6c: {  	s28 =	simm.s32 $0x4E00  }
0x6d: {  	[tilespmem:s22], [sflag:$0x2] =	stream.indirect.gather [hbm4b:s1+s20], $0x80, s28, s20, $0xb8;
	[tilespmem:$0x14F00] =	vst v63  }
0x6e: {  	_ =	swait.ge [sflag:s23], $0x4000  }
0x6f: {  	[sflag:s23] =	ssyncset.done $0x0  }
0x70: {  	[sflag:s23] =	ssyncadd.s32 $0xFFFFC000  }
0x71: {  	_ =	swait.ge [sflag:s23], $0x4000  }
0x72: {  	[sflag:s23] =	ssyncset.done $0x0  }
0x73: {  	[sflag:s23] =	ssyncadd.s32 $0xFFFFC000  }
0x74: {  	[hbm4b:s9+s15] =	stream.strided.scatter [tilespmem:s18], [sflag:$0x3], $0x4000, s24, s15, $0x38;
	[tilespmem:$0x14F00] =	vst v63  }
0x75: {  	_ = 	snop  }
0x76: {  	[hbm4b:s10+s15] =	stream.strided.scatter [tilespmem:s19], [sflag:$0x3], $0x4000, s24, s15, $0x38;
	[tilespmem:$0x14F00] =	vst v63  }
0x77: {  	_ =	swait.ge [sflag:s25], $0x4000  }
0x78: {  	[sflag:s25] =	ssyncset.done $0x0  }
0x79: {  	[sflag:s25] =	ssyncadd.s32 $0xFFFFC000  }
0x7a: {  	_ =	swait.ge [sflag:s25], $0x4000  }
0x7b: {  	[sflag:s25] =	ssyncset.done $0x0  }
0x7c: {  	[sflag:s25] =	ssyncadd.s32 $0xFFFFC000  }
0x7d: {  	_ =	swait.ge [sflag:s26], $0x4000  }
0x7e: {  	[sflag:s26] =	ssyncset.done $0x0  }
0x7f: {  	[sflag:s26] =	ssyncadd.s32 $0xFFFFC000  }
0x80: {  	_ =	swait.ge [sflag:s26], $0x4000  }
0x81: {  	[sflag:s26] =	ssyncset.done $0x0  }
0x82: {  	[sflag:s26] =	ssyncadd.s32 $0xFFFFC000  }
0x83: {  	[hbm4b:s11+s15] =	stream.strided.scatter [tilespmem:s21], [sflag:$0x3], $0x4000, s24, s15, $0x38;
	[tilespmem:$0x14F00] =	vst v63  }
0x84: {  	_ = 	snop  }
0x85: {  	[hbm4b:s12+s15] =	stream.strided.scatter [tilespmem:s22], [sflag:$0x3], $0x4000, s24, s15, $0x38;
	[tilespmem:$0x14F00] =	vst v63  }
0x86: {  	_ =	swait.ge [sflag:s25], $0x4000  }
0x87: {  	[sflag:s25] =	ssyncset.done $0x0  }
0x88: {  	[sflag:s25] =	ssyncadd.s32 $0xFFFFC000  }
0x89: {  	_ =	swait.ge [sflag:s25], $0x4000  }
0x8a: {  	[sflag:s25] =	ssyncset.done $0x0  }
0x8b: {  	s29 =	simm.s32 $0x2700;
	[sflag:s25] =	ssyncadd.s32 $0xFFFFC000  }
0x8c: {  	[tilespmem:s18], [sflag:$0x1] =	stream.indirect.gather [hbm4b:s1+s30], $0x80, s29, s30, $0xb8;
	[tilespmem:$0x14F00] =	vst v63  }
0x8d: {  	s31 =	simm.s32 $0x4E80  }
0x8e: {  	[tilespmem:s19], [sflag:$0x1] =	stream.indirect.gather [hbm4b:s1+s30], $0x80, s31, s30, $0xb8;
	[tilespmem:$0x14F00] =	vst v63  }
0x8f: {  	_ =	swait.ge [sflag:s23], $0x800  }
0x90: {  	[sflag:s23] =	ssyncset.done $0x0  }
0x91: {  	[sflag:s23] =	ssyncadd.s32 $0xFFFFF800  }
0x92: {  	_ =	swait.ge [sflag:s23], $0x800  }
0x93: {  	[sflag:s23] =	ssyncset.done $0x0  }
0x94: {  	[sflag:s23] =	ssyncadd.s32 $0xFFFFF800  }
0x95: {  	[hbm4b:s6+s15] =	stream.strided.scatter [tilespmem:s18], [sflag:$0x3], $0x800, s24, s15, $0x38;
	[tilespmem:$0x14F00] =	vst v63  }
0x96: {  	s0 =	sadd.s32 $0x1, s0  }
0x97: {  	[hbm4b:s7+s15] =	stream.strided.scatter [tilespmem:s19], [sflag:$0x3], $0x800, s24, s15, $0x38;
	[tilespmem:$0x14F00] =	vst v63  }
0x98: {  	p0 =	sne.s32 s0, s8;
	_ =	swait.ge [sflag:s25], $0x800  }
.Ltmp1:
0x99: {  	[sflag:s25] =	ssyncset.done $0x0;
	(pc) =	sbr.rel @p0 .LBB2_1-.Ltmp1, $4  }
0x9a: {  	[sflag:s25] =	ssyncadd.s32 $0xFFFFF800  }
0x9b: {  	_ =	swait.ge [sflag:s25], $0x800  }
0x9c: {  	[sflag:s25] =	ssyncset.done $0x0  }
0x9d: {  	[sflag:s25] =	ssyncadd.s32 $0xFFFFF800  }
0x9e: {  	_ =	sfence.sel $0x180000  }
0x9f: {  	[bflag:$0x0] =	sbarrier.arrive $0xFFFF  }
0xa0: {  	_ =	strace $0x90000047  }
0xa1: {  	s0 =	stileid.u32;
	[bflag:$0x2] =	sbarrier.arrive $0xFFFF  }
0xa2: {  	p0 =	sne.s32 s0, $0x0;
	s0 =	rddreg [dreg:$0x3]  }
0xa3: {  	s0 =	sadd.s32 @!p0 $0x100000, s0  }
0xa4: {  	[sflag:s0] =	ssyncadd.tile.s32 @!p0 $0x1;
	_ =	shalt  }
.Lfunc_end2:
_tile_overlayer_lowered:
.L_overlay_start_2:
0xa5: {  	(tag) =	ssettag $0x2  }
0xa6: {  	s0 =	rddreg [dreg:$0x0];
	s2 =	stileid.u32  }
0xa7: {  	s1 =	rddreg [dreg:$0x1];
	p0 =	sne.s32 s2, $0x0  }
0xa8: {  	s3 =	rddreg [dreg:$0x2];
	[bflag:$0x3] =	sbarrier.arrive $0xFFFF;
	s2 =	simm.s32 @!p0 $0x1C04  }
0xa9: {  	[timem:s3], [sflag:s2] =	dma.local @!p0 [hbm:s0], s1  }
0xaa: {  	s0 =	simm.s32 @!p0 $0x4  }
0xab: {  	_ =	swait.ge @!p0 [sflag:s0], s1  }
0xac: {  	s1 =	ssub.s32 @!p0 $0x0, s1;
	[sflag:s0] =	ssyncset.done @!p0 $0x0  }
0xad: {  	[sflag:s0] =	ssyncadd.s32 @!p0 s1  }
0xae: {  	[bflag:$0x3] =	sbarrier.arrive $0xFFFF  }
0xaf: {  	_ =	shalt  }

</sc_bundles>
